<compile_context>
chip_gen: v7x
topology: tpu7x:2x2x1
jax: 0.10.2.dev20260603
libtpu: 0.0.44.dev20260713+nightly
codegen_flags: <defaults>
</compile_context>

<pallas_src>
import functools
import math

import jax
import jax.numpy as jnp
from jax import lax
from jax.experimental import pallas as pl
from jax.experimental.pallas import tpu as pltpu
from jax.experimental.pallas import tpu_sc as plsc

_PAD = 0
_CONF = 0.9
_NC = 2
_NS = 16
_L = 16


def _sc_gather_body(V, R, logits_hbm, tok_hbm, out_hbm, idx_v, val_v, sem):
    c = lax.axis_index("c")
    s = lax.axis_index("s")
    wid = s * _NC + c
    rpw = R // _NS
    row_base = (wid % _NS) * rpw
    pltpu.sync_copy(tok_hbm.at[pl.ds(row_base, rpw)], idx_v)
    rows = row_base + lax.iota(jnp.int32, _L)
    is_le = jnp.where(wid < _NS, 1, 0)
    idx_v[...] = rows * V + idx_v[...] * is_le
    pltpu.async_copy(logits_hbm.at[idx_v], val_v, sem).wait()
    pltpu.sync_copy(val_v, out_hbm.at[pl.ds(wid * rpw, rpw)])


def _tc_rowsum_body(nblk, bw, V, x_ref, out_ref, acc_ref):
    i = pl.program_id(0)
    x = x_ref[...]
    col = i * bw + lax.broadcasted_iota(jnp.int32, x.shape, 1)
    part = jnp.sum(jnp.where(col < V, x, 0.0), axis=1, keepdims=True)

    @pl.when(i == 0)
    def _():
        acc_ref[...] = jnp.zeros_like(acc_ref)

    acc_ref[:, 0:1] += part

    @pl.when(i == nblk - 1)
    def _():
        out_ref[...] = acc_ref[:, 0:1]


def _tc_combine_body(V, tok_ref, le_ref, l0_ref, rowsum_ref, out_ref):
    d = (1.0 - _CONF) / (V - 2)
    a_const = (V - 2) * d * math.log(d) + _CONF * math.log(_CONF)
    rowsum = rowsum_ref[...]
    le = le_ref[...]
    l0 = l0_ref[...]
    tok = tok_ref[...]
    nonpad = (tok != _PAD).astype(jnp.float32)
    contrib = d * (rowsum - l0 - le) + _CONF * le
    n = jnp.sum(nonpad)
    tot = jnp.sum(contrib * nonpad)
    loss = (n * a_const - tot) / jnp.maximum(n, 1.0)
    out_ref[...] = jnp.full(out_ref.shape, loss)


def kernel(vocab_logits, expected_output_tokens, batch_idx):
    B, S, V = vocab_logits.shape
    R = B * S
    x2 = vocab_logits.reshape(R, V)
    x_flat = vocab_logits.reshape(R * V)
    tok_flat = expected_output_tokens.reshape(R).astype(jnp.int32)

    gathered = pl.kernel(
        functools.partial(_sc_gather_body, V, R),
        out_type=jax.ShapeDtypeStruct((2 * R,), jnp.float32),
        mesh=plsc.VectorSubcoreMesh(core_axis_name="c", subcore_axis_name="s"),
        scratch_types=[
            pltpu.VMEM((_L,), jnp.int32),
            pltpu.VMEM((_L,), jnp.float32),
            pltpu.SemaphoreType.DMA,
        ],
    )(x_flat, tok_flat)
    le2 = gathered[:R].reshape(R, 1)
    l02 = gathered[R:].reshape(R, 1)
    tok2 = tok_flat.reshape(R, 1)

    bw = 6272
    nblk = pl.cdiv(V, bw)
    rowsum = pl.pallas_call(
        functools.partial(_tc_rowsum_body, nblk, bw, V),
        grid=(nblk,),
        in_specs=[pl.BlockSpec((R, bw), lambda i: (0, i))],
        out_specs=pl.BlockSpec((R, 1), lambda i: (0, 0)),
        out_shape=jax.ShapeDtypeStruct((R, 1), jnp.float32),
        scratch_shapes=[pltpu.VMEM((R, 128), jnp.float32)],
    )(x2)
    out = pl.pallas_call(
        functools.partial(_tc_combine_body, V),
        in_specs=[
            pl.BlockSpec((R, 1), lambda: (0, 0)),
            pl.BlockSpec((R, 1), lambda: (0, 0)),
            pl.BlockSpec((R, 1), lambda: (0, 0)),
            pl.BlockSpec((R, 1), lambda: (0, 0)),
        ],
        out_specs=pl.BlockSpec((8, 128), lambda: (0, 0)),
        out_shape=jax.ShapeDtypeStruct((8, 128), jnp.float32),
    )(tok2, le2, l02, rowsum)
    return out[0, 0]

# --- scband reference (transcript-rebuilt; emitter-appended) ---
"""Pipeline reference for scband-label-smoothing-loss-65463891526292 (READ-ONLY COPY).

The authoritative reference and input builder live on the scoring server;
editing this copy changes nothing except your own understanding.
"""

import jax, jax.numpy as jnp
import numpy as np
from jax.scipy.special import xlogy

PADDING_TOKEN_IDX = 0
CONFIDENCE = 0.9


def setup_inputs(seed: int = 0) -> dict:
    key = jax.random.key(seed)
    k1, k2 = jax.random.split(key)
    B, S, V = 8, 32, 100000
    vocab_logits = jax.random.normal(k1, (B, S, V), dtype=jnp.float32)
    expected_output_tokens = jax.random.randint(k2, (B, S), 0, V, dtype=jnp.int64 if jax.config.jax_enable_x64 else jnp.int32).astype(jnp.int32)
    return {
        "vocab_logits": vocab_logits,
        "expected_output_tokens": expected_output_tokens,
        "batch_idx": 0,
    }


def reference(vocab_logits, expected_output_tokens, batch_idx):
    B, S, V = vocab_logits.shape
    inverse_prob = 1.0 - CONFIDENCE
    dispersed = inverse_prob / (V - 2)
    # smoothed target distribution [B, S, V]
    target = jnp.full((B, S, V), dispersed, dtype=vocab_logits.dtype)
    b_idx = jnp.arange(B)[:, None]
    s_idx = jnp.arange(S)[None, :]
    target = target.at[b_idx, s_idx, expected_output_tokens].set(CONFIDENCE)
    target = target.at[:, :, PADDING_TOKEN_IDX].set(0.0)
    # reshape and drop padding-token targets
    logits2 = vocab_logits.reshape(B * S, V)
    target2 = target.reshape(B * S, V)
    nonpad_mask = (expected_output_tokens.reshape(-1) != PADDING_TOKEN_IDX).astype(vocab_logits.dtype)
    # KLDivLoss(reduction='batchmean'): sum(t * (log t - input)) / n_rows, with 0*log0 = 0
    kl_pointwise = xlogy(target2, target2) - target2 * logits2
    row_sums = kl_pointwise.sum(axis=-1)
    n_rows = jnp.maximum(nonpad_mask.sum(), 1.0)
    loss = jnp.sum(row_sums * nonpad_mask) / n_rows
    return loss

if __name__ == "__main__":
    import jax
    _d = setup_inputs()
    print(jax.jit(kernel)(*tuple(_d.values())))

</pallas_src>

<mosaic_0001>
#map = affine_map<(d0, d1) -> (0)>
module attributes {stable_mosaic.version = 14 : i64} {
  func.func @_sc_gather_body(%arg0: i32, %arg1: i32, %arg2: memref<25600000xf32, #tpu.memory_space<hbm>>, %arg3: memref<256xi32, #tpu.memory_space<hbm>>, %arg4: memref<512xf32, #tpu.memory_space<hbm>>, %arg5: memref<16xi32, #tpu.memory_space<vmem>>, %arg6: memref<16xf32, #tpu.memory_space<vmem>>, %arg7: memref<!tpu.dma_semaphore, #tpu.memory_space<semaphore_mem>>) attributes {dimension_semantics = [#tpu.dimension_semantics<core_parallel>, #tpu.dimension_semantics<subcore_parallel>], iteration_bounds = array<i64: 2, 16>, scalar_prefetch = 0 : i64, scratch_operands = 3 : i64, tpu.core_type = #tpu.core_type<sc_vector_subcore>, window_params = [{transform_indices = #map}, {transform_indices = #map}, {transform_indices = #map}]} {
    %mul3A = arith.constant 2 : i32
    %mul3A_0 = arith.muli %arg1, %mul3A : i32
    %add3A = arith.addi %mul3A_0, %arg0 : i32
    %jit3A = arith.constant 16 : i32
    %eq3A = arith.constant 0 : i32
    %eq3A_1 = arith.cmpi eq, %jit3A, %eq3A : i32
    %jit3A_2 = arith.constant 1 : i32
    %select_n3A = arith.select %eq3A_1, %jit3A_2, %jit3A : i32
    %rem3A = arith.remsi %add3A, %select_n3A : i32
    %ne3A = arith.constant 0 : i32
    %ne3A_3 = arith.cmpi ne, %rem3A, %ne3A : i32
    %lt3A = arith.constant 0 : i32
    %lt3A_4 = arith.cmpi slt, %rem3A, %lt3A : i32
    %lt3A_5 = arith.constant 0 : i32
    %lt3A_6 = arith.cmpi slt, %select_n3A, %lt3A_5 : i32
    %ne3A_7 = arith.xori %lt3A_4, %lt3A_6 : i1
    %and3A = arith.andi %ne3A_7, %ne3A_3 : i1
    %add3A_8 = arith.addi %rem3A, %select_n3A : i32
    %select_n3A_9 = arith.select %and3A, %add3A_8, %rem3A : i32
    %mul3A_10 = arith.constant 16 : i32
    %mul3A_11 = arith.muli %select_n3A_9, %mul3A_10 : i32
    "tpu.region"() ({
      %run_scoped3A = tpu.sem_alloc : memref<!tpu.dma_semaphore, #tpu.memory_space<semaphore_mem>>
      %dma_start3A_34 = tpu.memref_slice %arg3[%mul3A_11] : memref<256xi32, #tpu.memory_space<hbm>> -> memref<16xi32, #tpu.memory_space<hbm>>
      %dma_start3A_35 = tpu.memref_slice %arg3[%mul3A_11] : memref<256xi32, #tpu.memory_space<hbm>> -> memref<16xi32, #tpu.memory_space<hbm>>
      tpu.enqueue_dma source(%dma_start3A_35 : memref<16xi32, #tpu.memory_space<hbm>>) target(%arg5 : memref<16xi32, #tpu.memory_space<vmem>>) target_semaphore(%run_scoped3A : memref<!tpu.dma_semaphore, #tpu.memory_space<semaphore_mem>>)
      %dma_wait3A_36 = tpu.memref_slice %arg3[%mul3A_11] : memref<256xi32, #tpu.memory_space<hbm>> -> memref<16xi32, #tpu.memory_space<hbm>>
      %dma_wait3A_37 = tpu.memref_slice %arg3[%mul3A_11] : memref<256xi32, #tpu.memory_space<hbm>> -> memref<16xi32, #tpu.memory_space<hbm>>
      tpu.wait_dma2 semaphore(%run_scoped3A : memref<!tpu.dma_semaphore, #tpu.memory_space<semaphore_mem>>) src(%dma_wait3A_37 : memref<16xi32, #tpu.memory_space<hbm>>) dst(%arg5 : memref<16xi32, #tpu.memory_space<vmem>>)
      tpu.yield
    }) : () -> ()
    %iota3A = tpu.iota {dimensions = array<i32: 0>} : vector<16xi32>
    %add3A_12 = vector.broadcast %mul3A_11 : i32 to vector<16xi32>
    %add3A_13 = arith.addi %add3A_12, %iota3A : vector<16xi32>
    %lt3A_14 = arith.constant 16 : i32
    %lt3A_15 = arith.cmpi slt, %add3A, %lt3A_14 : i32
    %jit3A_16 = arith.constant 1 : i32
    %jit3A_17 = arith.constant 0 : i32
    %select_n3A_18 = arith.select %lt3A_15, %jit3A_16, %jit3A_17 : i32
    %mul3A_19 = arith.constant 100000 : i32
    %mul3A_20 = vector.broadcast %mul3A_19 : i32 to vector<16xi32>
    %mul3A_21 = arith.muli %add3A_13, %mul3A_20 : vector<16xi32>
    %get3A = arith.constant 0 : index
    %get3A_22 = tpu.vector_load %arg5[%get3A] {strides = array<i32>} : memref<16xi32, #tpu.memory_space<vmem>>, vector<16xi32>,
    %get3A_23 = vector.shape_cast %get3A_22 : vector<16xi32> to vector<16xi32>
    %mul3A_24 = vector.broadcast %select_n3A_18 : i32 to vector<16xi32>
    %mul3A_25 = arith.muli %get3A_23, %mul3A_24 : vector<16xi32>
    %add3A_26 = arith.addi %mul3A_21, %mul3A_25 : vector<16xi32>
    %swap3A = arith.constant 0 : index
    %swap3A_27 = tpu.vector_load %arg5[%swap3A] {strides = array<i32>} : memref<16xi32, #tpu.memory_space<vmem>>, vector<16xi32>,
    %swap3A_28 = vector.shape_cast %swap3A_27 : vector<16xi32> to vector<16xi32>
    %swap3A_29 = vector.shape_cast %add3A_26 : vector<16xi32> to vector<16xi32>
    tpu.vector_store %arg5[%swap3A], %swap3A_29 {strides = array<i32>} : memref<16xi32, #tpu.memory_space<vmem>>, vector<16xi32>,
    %dma_start3A = arith.constant 0 : i32
    %dma_start3A_30 = tpu.memref_slice %arg2[%dma_start3A] : memref<25600000xf32, #tpu.memory_space<hbm>> -> memref<25600000xf32, #tpu.memory_space<hbm>>
    tpu.enqueue_indirect_dma source(%dma_start3A_30 : memref<25600000xf32, #tpu.memory_space<hbm>>) target(%arg6 : memref<16xf32, #tpu.memory_space<vmem>>) offsets(%arg5 : memref<16xi32, #tpu.memory_space<vmem>>) semaphore(%arg7 : memref<!tpu.dma_semaphore, #tpu.memory_space<semaphore_mem>>)
    %dma_wait3A = arith.constant 0 : i32
    %dma_wait3A_31 = tpu.memref_slice %arg2[%dma_wait3A] : memref<25600000xf32, #tpu.memory_space<hbm>> -> memref<25600000xf32, #tpu.memory_space<hbm>>
    tpu.wait_indirect_dma semaphore(%arg7 : memref<!tpu.dma_semaphore, #tpu.memory_space<semaphore_mem>>) src(%dma_wait3A_31 : memref<25600000xf32, #tpu.memory_space<hbm>>) dst(%arg6 : memref<16xf32, #tpu.memory_space<vmem>>)
    %mul3A_32 = arith.constant 16 : i32
    %mul3A_33 = arith.muli %add3A, %mul3A_32 : i32
    "tpu.region"() ({
      %run_scoped3A = tpu.sem_alloc : memref<!tpu.dma_semaphore, #tpu.memory_space<semaphore_mem>>
      %dma_start3A_34 = tpu.memref_slice %arg4[%mul3A_33] : memref<512xf32, #tpu.memory_space<hbm>> -> memref<16xf32, #tpu.memory_space<hbm>>
      %dma_start3A_35 = tpu.memref_slice %arg4[%mul3A_33] : memref<512xf32, #tpu.memory_space<hbm>> -> memref<16xf32, #tpu.memory_space<hbm>>
      tpu.enqueue_dma source(%arg6 : memref<16xf32, #tpu.memory_space<vmem>>) target(%dma_start3A_35 : memref<16xf32, #tpu.memory_space<hbm>>) target_semaphore(%run_scoped3A : memref<!tpu.dma_semaphore, #tpu.memory_space<semaphore_mem>>)
      %dma_wait3A_36 = tpu.memref_slice %arg4[%mul3A_33] : memref<512xf32, #tpu.memory_space<hbm>> -> memref<16xf32, #tpu.memory_space<hbm>>
      %dma_wait3A_37 = tpu.memref_slice %arg4[%mul3A_33] : memref<512xf32, #tpu.memory_space<hbm>> -> memref<16xf32, #tpu.memory_space<hbm>>
      tpu.wait_dma2 semaphore(%run_scoped3A : memref<!tpu.dma_semaphore, #tpu.memory_space<semaphore_mem>>) src(%arg6 : memref<16xf32, #tpu.memory_space<vmem>>) dst(%dma_wait3A_37 : memref<16xf32, #tpu.memory_space<hbm>>)
      tpu.yield
    }) : () -> ()
    return
  }
}

module attributes {stable_mosaic.version = 14 : i64} {
  func.func @_tc_rowsum_body(%arg0: i32, %arg1: memref<256x6272xf32, #tpu.memory_space<vmem>>, %arg2: memref<256x1xf32, #tpu.memory_space<vmem>>, %arg3: memref<256x128xf32, #tpu.memory_space<vmem>>) attributes {dimension_semantics = [#tpu.dimension_semantics<arbitrary>], iteration_bounds = array<i64: 16>, scalar_prefetch = 0 : i64, scratch_operands = 1 : i64, tpu.core_type = #tpu.core_type<tc>, window_params = [{transform_indices = @transform_0, window_bounds = array<i64: 256, 6272>}, {pipeline_mode = #tpu.pipeline_mode<synchronous>, transform_indices = @transform_1, window_bounds = array<i64: 256, 1>}]} {
    %get3A = arith.constant 0 : index
    %get3A_0 = arith.constant 0 : index
    %get3A_1 = vector.load %arg1[%get3A, %get3A_0] : memref<256x6272xf32, #tpu.memory_space<vmem>>, vector<256x6272xf32>
    %mul3A = arith.constant 6272 : i32
    %mul3A_2 = arith.muli %arg0, %mul3A : i32
    %iota3A = tpu.iota {dimensions = array<i32: 1>} : vector<256x6272xi32>
    %add3A = vector.broadcast %mul3A_2 : i32 to vector<256x6272xi32>
    %add3A_3 = arith.addi %add3A, %iota3A : vector<256x6272xi32>
    %lt3A = arith.constant 100000 : i32
    %lt3A_4 = vector.broadcast %lt3A : i32 to vector<256x6272xi32>
    %lt3A_5 = arith.cmpi slt, %add3A_3, %lt3A_4 : vector<256x6272xi32>
    %jit3A = arith.constant 0.000000e+00 : f32
    %broadcast_in_dim3A = vector.broadcast %jit3A : f32 to vector<256x6272xf32>
    %select_n3A = arith.select %lt3A_5, %get3A_1, %broadcast_in_dim3A : vector<256x6272xi1>, vector<256x6272xf32>
    %reduce_sum3A = arith.constant dense<0.000000e+00> : vector<256xf32>
    %reduce_sum3A_6 = vector.multi_reduction <add>, %select_n3A, %reduce_sum3A [1] : vector<256x6272xf32> to vector<256xf32>
    %broadcast_in_dim3A_7 = vector.shape_cast %reduce_sum3A_6 : vector<256xf32> to vector<256x1xf32>
    %eq3A = arith.constant 0 : i32
    %eq3A_8 = arith.cmpi eq, %arg0, %eq3A : i32
    %convert_element_type3A = arith.extui %eq3A_8 : i1 to i32
    %cond3A = arith.constant 0 : i32
    %cond3A_9 = arith.cmpi ne, %convert_element_type3A, %cond3A : i32
    scf.if %cond3A_9 {
      %broadcast_in_dim3A_21 = arith.constant 0.000000e+00 : f32
      %broadcast_in_dim3A_22 = vector.broadcast %broadcast_in_dim3A_21 : f32 to vector<256x128xf32>
      %swap3A_23 = arith.constant 0 : index
      %swap3A_24 = arith.constant 0 : index
      %swap3A_25 = vector.load %arg3[%swap3A_23, %swap3A_24] : memref<256x128xf32, #tpu.memory_space<vmem>>, vector<256x128xf32>
      tpu.vector_store %arg3[%swap3A_23, %swap3A_24], %broadcast_in_dim3A_22 {strides = array<i32>} : memref<256x128xf32, #tpu.memory_space<vmem>>, vector<256x128xf32>,
    } else {
    }
    %get3A_10 = arith.constant 0 : index
    %get3A_11 = arith.constant 0 : index
    %get3A_12 = vector.load %arg3[%get3A_10, %get3A_11] : memref<256x128xf32, #tpu.memory_space<vmem>>, vector<256x1xf32>
    %add3A_13 = arith.addf %get3A_12, %broadcast_in_dim3A_7 : vector<256x1xf32>
    %swap3A = arith.constant 0 : index
    %swap3A_14 = arith.constant 0 : index
    %swap3A_15 = vector.load %arg3[%swap3A, %swap3A_14] : memref<256x128xf32, #tpu.memory_space<vmem>>, vector<256x1xf32>
    tpu.vector_store %arg3[%swap3A, %swap3A_14], %add3A_13 {strides = array<i32>} : memref<256x128xf32, #tpu.memory_space<vmem>>, vector<256x1xf32>,
    %eq3A_16 = arith.constant 15 : i32
    %eq3A_17 = arith.cmpi eq, %arg0, %eq3A_16 : i32
    %convert_element_type3A_18 = arith.extui %eq3A_17 : i1 to i32
    %cond3A_19 = arith.constant 0 : i32
    %cond3A_20 = arith.cmpi ne, %convert_element_type3A_18, %cond3A_19 : i32
    scf.if %cond3A_20 {
      %get3A_21 = arith.constant 0 : index
      %get3A_22 = arith.constant 0 : index
      %get3A_23 = vector.load %arg3[%get3A_21, %get3A_22] : memref<256x128xf32, #tpu.memory_space<vmem>>, vector<256x1xf32>
      %swap3A_24 = arith.constant 0 : index
      %swap3A_25 = arith.constant 0 : index
      %swap3A_26 = vector.load %arg2[%swap3A_24, %swap3A_25] : memref<256x1xf32, #tpu.memory_space<vmem>>, vector<256x1xf32>
      tpu.vector_store %arg2[%swap3A_24, %swap3A_25], %get3A_23 {strides = array<i32>} : memref<256x1xf32, #tpu.memory_space<vmem>>, vector<256x1xf32>,
    } else {
    }
    return
  }
  func.func @transform_0(%arg0: i32) -> (i32, i32) {
    %c0_i32 = arith.constant 0 : i32
    %c0_i32_0 = arith.constant 0 : i32
    return %c0_i32, %arg0 : i32, i32
  }
  func.func @transform_1(%arg0: i32) -> (i32, i32) {
    %c0_i32 = arith.constant 0 : i32
    %c0_i32_0 = arith.constant 0 : i32
    %c0_i32_1 = arith.constant 0 : i32
    return %c0_i32, %c0_i32_0 : i32, i32
  }
}

module attributes {stable_mosaic.version = 14 : i64} {
  func.func @_tc_combine_body(%arg0: memref<256x1xi32, #tpu.memory_space<vmem>>, %arg1: memref<256x1xf32, #tpu.memory_space<vmem>>, %arg2: memref<256x1xf32, #tpu.memory_space<vmem>>, %arg3: memref<256x1xf32, #tpu.memory_space<vmem>>, %arg4: memref<8x128xf32, #tpu.memory_space<vmem>>) attributes {dimension_semantics = [], scalar_prefetch = 0 : i64, scratch_operands = 0 : i64, tpu.core_type = #tpu.core_type<tc>} {
    %get3A = arith.constant 0 : index
    %get3A_0 = arith.constant 0 : index
    %get3A_1 = vector.load %arg3[%get3A, %get3A_0] : memref<256x1xf32, #tpu.memory_space<vmem>>, vector<256x1xf32>
    %get3A_2 = arith.constant 0 : index
    %get3A_3 = arith.constant 0 : index
    %get3A_4 = vector.load %arg1[%get3A_2, %get3A_3] : memref<256x1xf32, #tpu.memory_space<vmem>>, vector<256x1xf32>
    %get3A_5 = arith.constant 0 : index
    %get3A_6 = arith.constant 0 : index
    %get3A_7 = vector.load %arg2[%get3A_5, %get3A_6] : memref<256x1xf32, #tpu.memory_space<vmem>>, vector<256x1xf32>
    %get3A_8 = arith.constant 0 : index
    %get3A_9 = arith.constant 0 : index
    %get3A_10 = vector.load %arg0[%get3A_8, %get3A_9] : memref<256x1xi32, #tpu.memory_space<vmem>>, vector<256x1xi32>
    %ne3A = arith.constant 0 : i32
    %ne3A_11 = vector.broadcast %ne3A : i32 to vector<256x1xi32>
    %ne3A_12 = arith.cmpi ne, %get3A_10, %ne3A_11 : vector<256x1xi32>
    %convert_element_type3A = arith.extui %ne3A_12 : vector<256x1xi1> to vector<256x1xi32>
    %convert_element_type3A_13 = arith.sitofp %convert_element_type3A : vector<256x1xi32> to vector<256x1xf32>
    %sub3A = arith.subf %get3A_1, %get3A_7 : vector<256x1xf32>
    %sub3A_14 = arith.subf %sub3A, %get3A_4 : vector<256x1xf32>
    %mul3A = arith.constant 1.000020e-06 : f32
    %mul3A_15 = vector.broadcast %mul3A : f32 to vector<256x1xf32>
    %mul3A_16 = arith.mulf %mul3A_15, %sub3A_14 : vector<256x1xf32>
    %mul3A_17 = arith.constant 0.899999976 : f32
    %mul3A_18 = vector.broadcast %mul3A_17 : f32 to vector<256x1xf32>
    %mul3A_19 = arith.mulf %mul3A_18, %get3A_4 : vector<256x1xf32>
    %add3A = arith.addf %mul3A_16, %mul3A_19 : vector<256x1xf32>
    %reduce_sum3A = vector.shape_cast %convert_element_type3A_13 : vector<256x1xf32> to vector<1x256x1xf32>
    %reduce_sum3A_20 = arith.constant dense<0.000000e+00> : vector<1xf32>
    %reduce_sum3A_21 = vector.multi_reduction <add>, %reduce_sum3A, %reduce_sum3A_20 [1, 2] : vector<1x256x1xf32> to vector<1xf32>
    %reduce_sum3A_22 = vector.shape_cast %reduce_sum3A_21 : vector<1xf32> to vector<1x1x1xf32>
    %reduce_sum3A_23 = vector.extract %reduce_sum3A_22[0, 0, 0] : f32 from vector<1x1x1xf32>
    %mul3A_24 = arith.mulf %add3A, %convert_element_type3A_13 : vector<256x1xf32>
    %reduce_sum3A_25 = vector.shape_cast %mul3A_24 : vector<256x1xf32> to vector<1x256x1xf32>
    %reduce_sum3A_26 = arith.constant dense<0.000000e+00> : vector<1xf32>
    %reduce_sum3A_27 = vector.multi_reduction <add>, %reduce_sum3A_25, %reduce_sum3A_26 [1, 2] : vector<1x256x1xf32> to vector<1xf32>
    %reduce_sum3A_28 = vector.shape_cast %reduce_sum3A_27 : vector<1xf32> to vector<1x1x1xf32>
    %reduce_sum3A_29 = vector.extract %reduce_sum3A_28[0, 0, 0] : f32 from vector<1x1x1xf32>
    %mul3A_30 = arith.constant -1.47637355 : f32
    %mul3A_31 = arith.mulf %reduce_sum3A_23, %mul3A_30 : f32
    %sub3A_32 = arith.subf %mul3A_31, %reduce_sum3A_29 : f32
    %max3A = arith.constant 1.000000e+00 : f32
    %max3A_33 = arith.maximumf %reduce_sum3A_23, %max3A : f32
    %div3A = arith.divf %sub3A_32, %max3A_33 : f32
    %broadcast_in_dim3A = vector.broadcast %div3A : f32 to vector<8x128xf32>
    %swap3A = arith.constant 0 : index
    %swap3A_34 = arith.constant 0 : index
    %swap3A_35 = vector.load %arg4[%swap3A, %swap3A_34] : memref<8x128xf32, #tpu.memory_space<vmem>>, vector<8x128xf32>
    tpu.vector_store %arg4[%swap3A, %swap3A_34], %broadcast_in_dim3A {strides = array<i32>} : memref<8x128xf32, #tpu.memory_space<vmem>>, vector<8x128xf32>,
    return
  }
}

</mosaic_0001>

<sc_bundles>
// kernel: kernel.5.cloned.1.call-start
scs
__scs_entry_jumppad:
0x0: {  	(pc) =	sbr.rel $0x88, $3  }
0x1: {  	(tag) =	ssettag $0x0;
	lr =	simm.s32 $0x1  }
0x2: {  	[smem:$0x3F9F] =	sst lr;
	_ =	strace $0xD0000000  }
0x3: {  	_ = 	snop  }
0x4: {  	_ = 	snop  }
0x5: {  	_ = 	snop  }
0x6: {  	_ = 	snop  }
0x7: {  	_ = 	snop  }
__scs_overlays_trampoline_lowered:
0x8: {  	[smem:$0x3FAE] =	sst s0  }
0x9: {  	[smem:$0x3FAF] =	sst s1  }
0xa: {  	[smem:$0x3FB0] =	sst s2  }
0xb: {  	[smem:$0x3FB1] =	sst s3  }
0xc: {  	[smem:$0x3FB2] =	sst s4  }
0xd: {  	[smem:$0x3FB3] =	sst s5  }
0xe: {  	[smem:$0x3FB4] =	sst s6  }
0xf: {  	[smem:$0x3FB5] =	sst s7  }
0x10: {  	[smem:$0x3FB6] =	sst s8  }
0x11: {  	[smem:$0x3FB7] =	sst s9;
	s0 =	simm.s32 @!p0 $0x0  }
0x12: {  	s1 =	sld [smem:$0x3F9D];
	s0 =	simm.s32 @p0 $0x1  }
0x13: {  	[smem:$0x3FB8] =	sst s0;
	s0 =	simm.s32 @!p1 $0x0  }
0x14: {  	s2 =	sld [smem:$0x3F9C];
	s0 =	simm.s32 @p1 $0x1  }
0x15: {  	[smem:$0x3FB9] =	sst s0;
	s0 =	simm.s32 @!p2 $0x0  }
0x16: {  	s3 =	sld [smem:$0x3FDB];
	s0 =	simm.s32 @p2 $0x1  }
0x17: {  	s4 =	simm.s32 $0x1BF5;
	[smem:$0x3FBB] =	sst s0  }
0x18: {  	s0 =	sld [smem:$0x3F9E];
	_ =	swait.ge [sflag:s4], $0x0  }
0x19: {  	s7 =	sld [smem:$0x3F9F]  }
0x1a: {  	s8 =	sadd.s32 $0xFFFFE003, lr  }
0x1b: {  	s9 =	sadd.s32 $0xFFFFFEF7, lr;
	s5 =	simm.s32 $0xFFFFFFFF;
	p2 =	slt.u32 s8, $0xFFFFF086  }
0x1c: {  	p1 =	slt.u32 s9, $0xF7A;
	s5 =	simm.s32 @!p2 $0x0  }
0x1d: {  	s5 =	simm.s32 @p1 $0x1;
	p0 =	seq.s32 s7, s2  }
0x1e: {  	s7 =	smul.u32 @!p0 $0xF7A, s2;
	p2 =	seq.s32 @!p0 s5, $0x0  }
0x1f: {  	s9 =	smul.u32 $0xF7A, s1;
	s8 =	simm.s32 @!p0 $0x1BF5;
	p2 =	por !p2, p0  }
0x20: {  	[sflag:s8] =	ssyncset.s32 @!p0 $0xFFFFF086;
	s6 =	sadd.s32 @!p0 s3, s7;
	s7 =	simm.s32 @!p0 $0x108  }
0x21: {  	s3 =	sadd.s32 s3, s9;
	s6 =	sadd.s32 @!p0 $0x88, s6;
	s7 =	simm.s32 @p2 $0x1082  }
0x22: {  	[simem:s7], [sflag:s8] =	dma.local @!p0 [hbm:s6], $0xF7A  }
0x23: {  	s9 =	sor.u32 $0xD0000000, s2;
	s6 =	simm.s32 $0x108;
	_ =	swait.ge @!p0 [sflag:s8], $0x0  }
0x24: {  	s3 =	sadd.s32 $0x88, s3;
	s6 =	simm.s32 @!p1 $0x1082;
	[sflag:s4] =	ssyncset.s32 $0xFFFFF086  }
0x25: {  	[simem:s6], [sflag:s4] =	dma.local [hbm:s3], $0xF7A  }
0x26: {  	[smem:$0x3F9F] =	sst s1;
	(tag) =	ssettag s2;
	_ =	strace s9  }
0x27: {  	s1 =	sld [smem:$0x3FAF]  }
0x28: {  	s2 =	sld [smem:$0x3FB0]  }
0x29: {  	s4 =	sld [smem:$0x3FB2]  }
0x2a: {  	p0 =	seq.s32 s5, $0x0;
	s5 =	sld [smem:$0x3FB3]  }
0x2b: {  	s6 =	sld [smem:$0x3FB4]  }
0x2c: {  	s7 =	sld [smem:$0x3FB5]  }
0x2d: {  	s3 =	simm.s32 $0x108;
	s8 =	sld [smem:$0x3FB6]  }
0x2e: {  	s3 =	simm.s32 @!p0 $0x1082;
	s9 =	sld [smem:$0x3FB7]  }
0x2f: {  	lr =	sadd.s32 s0, s3;
	s0 =	sld [smem:$0x3FAE]  }
0x30: {  	s3 =	sld [smem:$0x3FB1]  }
0x31: {  	[smem:$0x3FBA] =	sst s10  }
0x32: {  	s10 =	sld [smem:$0x3FB8];
	_ =	sdelay $0x3  }
0x33: {  	p0 =	seq.s32 s10, $0x1;
	s10 =	sld [smem:$0x3FBA];
	_ =	sdelay $0x3  }
0x34: {  	[smem:$0x3FBA] =	sst s10  }
0x35: {  	s10 =	sld [smem:$0x3FB9];
	_ =	sdelay $0x3  }
0x36: {  	p1 =	seq.s32 s10, $0x1;
	s10 =	sld [smem:$0x3FBA];
	_ =	sdelay $0x3  }
0x37: {  	[smem:$0x3FBA] =	sst s10  }
0x38: {  	s10 =	sld [smem:$0x3FBB]  }
0x39: {  	_ = 	snop;
	(pc) =	sbr.ind lr, $3  }
0x3a: {  	_ = 	snop  }
0x3b: {  	_ = 	snop  }
0x3c: {  	p2 =	seq.s32 s10, $0x1;
	s10 =	sld [smem:$0x3FBA]  }
0x3d: {  	_ =	shalt  }
0x3e: {  	_ =	shalt  }
0x3f: {  	_ =	shalt  }
0x40: {  	_ =	shalt  }
0x41: {  	_ =	shalt  }
0x42: {  	_ =	shalt  }
0x43: {  	_ =	shalt  }
0x44: {  	_ =	shalt  }
0x45: {  	_ =	shalt  }
0x46: {  	_ =	shalt  }
0x47: {  	_ =	shalt  }
0x48: {  	_ =	shalt  }
0x49: {  	_ =	shalt  }
0x4a: {  	_ =	shalt  }
0x4b: {  	_ =	shalt  }
0x4c: {  	_ =	shalt  }
0x4d: {  	_ =	shalt  }
0x4e: {  	_ =	shalt  }
0x4f: {  	_ =	shalt  }
0x50: {  	_ =	shalt  }
0x51: {  	_ =	shalt  }
0x52: {  	_ =	shalt  }
0x53: {  	_ =	shalt  }
0x54: {  	_ =	shalt  }
0x55: {  	_ =	shalt  }
0x56: {  	_ =	shalt  }
0x57: {  	_ =	shalt  }
0x58: {  	_ =	shalt  }
0x59: {  	_ =	shalt  }
0x5a: {  	_ =	shalt  }
0x5b: {  	_ =	shalt  }
0x5c: {  	_ =	shalt  }
0x5d: {  	_ =	shalt  }
0x5e: {  	_ =	shalt  }
0x5f: {  	_ =	shalt  }
0x60: {  	_ =	shalt  }
0x61: {  	_ =	shalt  }
0x62: {  	_ =	shalt  }
0x63: {  	_ =	shalt  }
0x64: {  	_ =	shalt  }
0x65: {  	_ =	shalt  }
0x66: {  	_ =	shalt  }
0x67: {  	_ =	shalt  }
0x68: {  	_ =	shalt  }
0x69: {  	_ =	shalt  }
0x6a: {  	_ =	shalt  }
0x6b: {  	_ =	shalt  }
0x6c: {  	_ =	shalt  }
0x6d: {  	_ =	shalt  }
0x6e: {  	_ =	shalt  }
0x6f: {  	_ =	shalt  }
0x70: {  	_ =	shalt  }
0x71: {  	_ =	shalt  }
0x72: {  	_ =	shalt  }
0x73: {  	_ =	shalt  }
0x74: {  	_ =	shalt  }
0x75: {  	_ =	shalt  }
0x76: {  	_ =	shalt  }
0x77: {  	_ =	shalt  }
0x78: {  	_ =	shalt  }
0x79: {  	_ =	shalt  }
0x7a: {  	_ =	shalt  }
0x7b: {  	_ =	shalt  }
0x7c: {  	_ =	shalt  }
0x7d: {  	_ =	shalt  }
0x7e: {  	_ =	shalt  }
0x7f: {  	_ =	shalt  }
0x80: {  	_ =	shalt  }
0x81: {  	_ =	shalt  }
0x82: {  	_ =	shalt  }
0x83: {  	_ =	shalt  }
0x84: {  	_ =	shalt  }
0x85: {  	_ =	shalt  }
0x86: {  	_ =	shalt  }
0x87: {  	_ =	shalt  }
.Lfunc_end0:
.L_simem_size_0:
called_computation_lowered:
.L_overlay_start_0:
0x88: {  	s2 =	sld [smem:$0x3FD9]  }
0x89: {  	s3 =	sld [smem:$0x3FFE];
	_ =	sdelay $0x1  }
0x8a: {  	s1 =	srdreg.scid  }
0x8b: {  	s0 =	sand.u32 $0x1, s1  }
0x8c: {  	s16 =	sshll.u32 s0, $0xA;
	s2 =	sadd.s32 s3, s2  }
0x8d: {  	s2 =	sadd.s32 s2, s16  }
0x8e: {  	[smem:$0x3FC6] =	sst s2  }
0x8f: {  	_ = 	snop  }
0x90: {  	(tm) =	ssettm $0x1  }
0x91: {  	s17 =	sld [smem:$0x3FFB];
	_ =	sdelay $0x3  }
0x92: {  	_ =	strace s17  }
0x93: {  	s2 =	sld [smem:$0x3FFC];
	_ =	sdelay $0x3  }
0x94: {  	_ =	strace s2  }
0x95: {  	s2 =	sld [smem:$0x3FFD];
	_ =	sdelay $0x3  }
0x96: {  	_ =	strace s2  }
0x97: {  	_ =	strace $0x8FFFFFFF  }
0x98: {  	s18 =	sld [smem:$0x3FDB];
	_ =	sdelay $0x1  }
0x99: {  	s19 =	simm.s32 $_scs_section_size  }
0x9a: {  	s4 =	simm.s32 $_size__tile_overlayer_lowered;
	s5 =	simm.s32 $_tile_overlayer_lowered  }
0x9b: {  	s22 =	simm.s32 $0x1BFF;
	s21 =	sshll.u32 s5, $0x1;
	s2 =	sadd.s32 s19, s18  }
0x9c: {  	s6 =	simm.s32 $0x0;
	s20 =	sshll.u32 s4, $0x1;
	s4 =	sadd.s32 s21, s2  }
0x9d: {  	[timem:s6], [sflag:s22] =	dma.local [hbm:s4], s20  }
0x9e: {  	_ =	swait.ge [sflag:s22], s20  }
0x9f: {  	s3 =	ssub.s32 $0x0, s20;
	[sflag:s22] =	ssyncset.done $0x0  }
0xa0: {  	[sflag:s22] =	ssyncadd.s32 s3;
	_ =	sdelay $0x1  }
0xa1: {  	s23 =	simm.s32 $0x1B8B  }
0xa2: {  	_ =	swait.ge [sflag:s23], $0x1  }
0xa3: {  	[sflag:s23] =	ssyncset.done $0x0  }
0xa4: {  	s25 =	simm.s32 $0x1B8E;
	s24 =	sld [smem:$0x3FFE];
	[sflag:s23] =	ssyncadd.s32 $0xFFFFFFFF  }
0xa5: {  	s26 =	simm.s32 $execute0_lowered;
	[smem:$0x3FD2] =	sst s25  }
0xa6: {  	s4 =	sshll.u32 s26, $0x1;
	_ =	strace $0x80000046;
	[dreg:$0x1] =	wrdreg $0xFFFFFFFF  }
0xa7: {  	s28 =	simm.s32 $_size_execute0_lowered;
	s2 =	sadd.s32 s2, s4;
	[dreg:$0x0] =	wrdreg $0x0  }
0xa8: {  	s4 =	sshll.u32 s28, $0x1;
	[dreg:$0x2] =	wrdreg s2  }
0xa9: {  	[dreg:$0x3] =	wrdreg s4  }
0xaa: {  	[dreg:$0x4] =	wrdreg $0xC0  }
0xab: {  	_ =	task [dreg:s6], $0x5FFFF  }
0xac: {  	[dreg:$0x1] =	wrdreg $0xFFFFFFFF  }
0xad: {  	[dreg:$0x0] =	wrdreg $0x60  }
0xae: {  	[dreg:$0x2] =	wrdreg s24  }
0xaf: {  	[dreg:$0x3] =	wrdreg $0x9  }
0xb0: {  	_ =	task.clear_ibuf [dreg:s6], $0x4FFFF;
	_ =	strace $0x90000046  }
0xb1: {  	s29 =	simm.s32 $0x9;
	_ =	strace $0x80000048  }
0xb2: {  	_ =	swait.ge [sflag:s29], $0x1  }
0xb3: {  	[sflag:s29] =	ssyncadd.s32 $0xFFFFFFFF  }
0xb4: {  	_ =	strace $0x90000048  }
0xb5: {  	_ =	sfence  }
0xb6: {  	s30 =	sld [smem:$0x0];
	_ =	sdelay $0x2  }
0xb7: {  	s31 =	sshll.u32 s1, $0xD;
	s1 =	sshrl.u32 s1, $0x2  }
0xb8: {  	s3 =	sand.u32 $0x4000, s31;
	s1 =	sadd.s32 s1, s30  }
0xb9: {  	s0 =	sor.u32 s3, s0;
	s1 =	sshll.u32 s1, $0x11  }
0xba: {  	s0 =	sor.u32 s1, s0  }
0xbb: {  	s0 =	sadd.s32 $0x8F2B, s0  }
0xbc: {  	[sflag:s0] =	ssyncadd.remote.s32 $0x1  }
0xbd: {  	_ =	sfence.sel $0xFFFF  }
0xbe: {  	[dreg:$0x0] =	wrdreg $0xFFFFFFFF;
	(pc) =	sbr.abs _section_cstart, $3  }
0xbf: {  	[dreg:$0x1] =	wrdreg $0xFFFFFFFF  }
0xc0: {  	_ =	task.clear_ibuf [dreg:s6], $0x2FFFF;
	_ =	strace $0x9FFFFFFF  }
0xc1: {  	(tm) =	ssettm $0x7FFFFFFF  }
tec
execute0_lowered:
.L_overlay_start_1:
0x0: {  	(tag) =	ssettag $0x1  }
0x1: {  	s1 =	srdreg.scid;
	s0 =	stileid.u32  }
0x2: {  	s6 =	sand.u32 $0x1, s1;
	s30 =	sshll.u32 s0, $0x1  }
0x3: {  	s9 =	sor.u32 s6, s30  }
0x4: {  	s1 =	sshll.u32 s9, $0x4  }
0x5: {  	s10 =	rddreg [dreg:$0x0];
	s2 =	simm.s32 $0x0;
	s5 =	sand.u32 $0xF0, s1  }
0x6: {  	[smem:$0x7FF] =	sst s2;
	s3 =	sshrl.u32 s5, $0x3  }
0x7: {  	s1 =	rddreg [dreg:$0x1];
	s3 =	sadd.s32 s3, s10  }
0x8: {  	_ =	strace $0x80000047;
	s4 =	sadd.s32 $0x30DC00, s3;
	s3 =	simm.s32 $0x2  }
0x9: {  	[tilespmem:s2], [sflag:$0x2] =	stream.linear.gather [hbm4b:s4+s2], $0x10, $0x38;
	[tilespmem:$0x100] =	vst v63  }
0xa: {  	_ =	swait.ge [sflag:s3], $0x10  }
0xb: {  	[sflag:s3] =	ssyncset.done $0x0  }
0xc: {  	[sflag:s3] =	ssyncadd.s32 $0xFFFFFFF0  }
0xd: {  	v1 =	vld [tilespmem:$0x0]  }
0xe: {  	v0 =	vmov s5  }
0xf: {  	p0 =	slt.u32 s0, $0x8;
	s5 =	simm.s32 $0x1;
	v0 =	vmul.u32 $0x186A0, v0  }
0x10: {  	v2 =	vlaneseq.u32;
	s5 =	simm.s32 @!p0 $0x0  }
0x11: {  	v2 =	vmul.u32 $0x186A0, v2;
	v3 =	vbroadcast v0, $0x0;
	v0 =	vmov s5  }
0x12: {  	s11 =	ssub.s32 $0x2, s6;
	v4 =	vmul.u32 v0, v1  }
0x13: {  	s7 =	simm.s32 $0x10;
	s8 =	simm.s32 $0x80;
	s12 =	sshrl.u32 s11, $0x1;
	v1 =	vadd.s32 v2, v3  }
0x14: {  	s6 =	simm.s32 $0x1;
	s9 =	sshll.u32 s9, $0x1;
	s31 =	ssub.s32 s11, s12;
	v2 =	vadd.s32 v4, v1  }
0x15: {  	s9 =	sadd.s32 s9, s10;
	s5 =	sadd.s32 $0x800, s10;
	s10 =	smax.u32 s31, $0x1;
	[tilespmem:$0x0] =	vst v2  }
0x16: {  	[tilespmem:s8], [sflag:$0x1] =	stream.indirect.gather [hbm4b:s5+s7], $0x1, s2, s7, $0xb8;
	[tilespmem:$0x100] =	vst v63  }
0x17: {  	p0 =	sne.s32 s10, $0x1;
	_ =	swait.ge [sflag:s6], $0x10  }
.Ltmp0:
0x18: {  	[sflag:s6] =	ssyncset.done $0x0;
	(pc) =	sbr.rel @!p0 .LBB2_2-.Ltmp0, $4  }
0x19: {  	s9 =	sadd.s32 $0x30DE00, s9;
	[sflag:s6] =	ssyncadd.s32 $0xFFFFFFF0  }
0x1a: {  	[hbm4b:s9+s2] =	stream.linear.scatter [tilespmem:s8], [sflag:$0x2], $0x10, $0x38;
	[tilespmem:$0x100] =	vst v63  }
0x1b: {  	_ =	swait.ge [sflag:s3], $0x10  }
0x1c: {  	s10 =	sadd.s32 $0xFFFFFFFF, s10;
	[sflag:s3] =	ssyncset.done $0x0  }
.LBB2_1:
0x1d: {  	p0 =	sne.s32 s10, $0x1;
	s10 =	sadd.s32 $0xFFFFFFFF, s10;
	[sflag:s3] =	ssyncadd.s32 $0xFFFFFFF0  }
0x1e: {  	[tilespmem:s2], [sflag:$0x2] =	stream.linear.gather [hbm4b:s4+s2], $0x10, $0x38;
	[tilespmem:$0x100] =	vst v63  }
0x1f: {  	_ =	swait.ge [sflag:s3], $0x10  }
0x20: {  	[sflag:s3] =	ssyncset.done $0x0  }
0x21: {  	[sflag:s3] =	ssyncadd.s32 $0xFFFFFFF0  }
0x22: {  	v2 =	vld [tilespmem:$0x0];
	_ =	sdelay $0x4  }
0x23: {  	v2 =	vmul.u32 v0, v2;
	_ =	sdelay $0x1  }
0x24: {  	v2 =	vadd.s32 v2, v1  }
0x25: {  	[tilespmem:$0x0] =	vst v2  }
0x26: {  	[tilespmem:s8], [sflag:$0x1] =	stream.indirect.gather [hbm4b:s5+s7], $0x1, s2, s7, $0xb8;
	[tilespmem:$0x100] =	vst v63  }
0x27: {  	_ =	swait.ge [sflag:s6], $0x10  }
.Ltmp1:
0x28: {  	[sflag:s6] =	ssyncset.done $0x0;
	(pc) =	sbr.rel @p0 .LBB2_1-.Ltmp1, $4  }
0x29: {  	[sflag:s6] =	ssyncadd.s32 $0xFFFFFFF0  }
0x2a: {  	[hbm4b:s9+s2] =	stream.linear.scatter [tilespmem:s8], [sflag:$0x2], $0x10, $0x38;
	[tilespmem:$0x100] =	vst v63  }
0x2b: {  	_ =	swait.ge [sflag:s3], $0x10  }
0x2c: {  	[sflag:s3] =	ssyncset.done $0x0  }
.LBB2_2:
0x2d: {  	[sflag:s3] =	ssyncadd.s32 $0xFFFFFFF0  }
0x2e: {  	_ =	sfence.sel $0x180000  }
0x2f: {  	[bflag:$0x0] =	sbarrier.arrive $0xFFFF  }
0x30: {  	p0 =	sne.s32 s0, $0x0;
	_ =	strace $0x90000047  }
0x31: {  	s0 =	sadd.s32 @!p0 $0x100000, s1;
	[bflag:$0x2] =	sbarrier.arrive $0xFFFF  }
0x32: {  	[sflag:s0] =	ssyncadd.tile.s32 @!p0 $0x1;
	_ =	shalt  }
.Lfunc_end2:
_tile_overlayer_lowered:
.L_overlay_start_2:
0x33: {  	(tag) =	ssettag $0x2  }
0x34: {  	s0 =	rddreg [dreg:$0x0];
	s2 =	stileid.u32  }
0x35: {  	s1 =	rddreg [dreg:$0x1];
	p0 =	sne.s32 s2, $0x0  }
0x36: {  	s3 =	rddreg [dreg:$0x2];
	[bflag:$0x3] =	sbarrier.arrive $0xFFFF;
	s2 =	simm.s32 @!p0 $0x1C02  }
0x37: {  	[timem:s3], [sflag:s2] =	dma.local @!p0 [hbm:s0], s1  }
0x38: {  	s0 =	simm.s32 @!p0 $0x2  }
0x39: {  	_ =	swait.ge @!p0 [sflag:s0], s1  }
0x3a: {  	s1 =	ssub.s32 @!p0 $0x0, s1;
	[sflag:s0] =	ssyncset.done @!p0 $0x0  }
0x3b: {  	[sflag:s0] =	ssyncadd.s32 @!p0 s1  }
0x3c: {  	[bflag:$0x3] =	sbarrier.arrive $0xFFFF  }
0x3d: {  	_ =	shalt  }

</sc_bundles>
